<compile_context>
chip_gen: v7x
topology: tpu7x:2x2x1
jax: 0.10.2.dev20260603
libtpu: 0.0.44.dev20260713+nightly
codegen_flags: <defaults>
</compile_context>

<pallas_src>
import functools

import jax
import jax.numpy as jnp
from jax import lax
from jax.experimental import pallas as pl
from jax.experimental.pallas import tpu as pltpu
from jax.experimental.pallas import tpu_sc as plsc

_NC = 2
_NS = 16
_NW = _NC * _NS
_CHUNK = 128


def _sc_gather(table, idx):
    B = idx.shape[0]
    D = table.shape[1]
    b_per_w = B // _NW
    n_chunks = b_per_w // _CHUNK

    mesh = plsc.VectorSubcoreMesh(core_axis_name="c", subcore_axis_name="s")

    @functools.partial(
        pl.kernel,
        mesh=mesh,
        out_type=jax.ShapeDtypeStruct((B, D), jnp.float32),
        scratch_types=[
            pltpu.VMEM((b_per_w,), jnp.int32),
            pltpu.VMEM((b_per_w, D), jnp.float32),
        ]
        + [pltpu.SemaphoreType.DMA] * (b_per_w // _CHUNK)
        + [pltpu.SemaphoreType.DMA],
    )
    def k(table_hbm, idx_hbm, out_hbm, idx_v, rows_v, *sems):
        gsems, ssem = sems[:-1], sems[-1]
        wid = lax.axis_index("s") * _NC + lax.axis_index("c")
        base = wid * b_per_w

        def gather(j):
            return pltpu.async_copy(
                table_hbm.at[idx_v.at[pl.ds(j * _CHUNK, _CHUNK)]],
                rows_v.at[pl.ds(j * _CHUNK, _CHUNK)],
                gsems[j],
            )

        pltpu.sync_copy(idx_hbm.at[pl.ds(base, b_per_w)], idx_v)
        gathers = [gather(j) for j in range(n_chunks)]
        stores = []
        for j in range(n_chunks):
            gathers[j].wait()
            stores.append(
                pltpu.async_copy(
                    rows_v.at[pl.ds(j * _CHUNK, _CHUNK)],
                    out_hbm.at[pl.ds(base + j * _CHUNK, _CHUNK)],
                    ssem,
                )
            )
        for s in stores:
            s.wait()

    return k(table, idx)


def _proj_body(lang_ref, g_ref, lt_ref, wv_ref, wl_ref, b_ref, out_ref):
    g = g_ref[...]
    lang_proj = (
        jnp.dot(lt_ref[...], wl_ref[...], preferred_element_type=jnp.float32)
        + b_ref[...]
    )
    ids = lang_ref[0, 0]
    onehot = (
        ids.reshape(-1, 1) == lax.broadcasted_iota(jnp.int32, (1, lt_ref.shape[0]), 1)
    ).astype(jnp.float32)
    out_ref[...] = (
        jnp.dot(g, wv_ref[...], preferred_element_type=jnp.float32)
        + jnp.dot(onehot, lang_proj, preferred_element_type=jnp.float32)
    )


def kernel(voice_id, language_id, voice_table, lang_table, W, b):
    B = voice_id.shape[0]
    D = voice_table.shape[1]
    NL, LD = lang_table.shape

    gathered = _sc_gather(voice_table, voice_id.astype(jnp.int32))

    BLK = 8192
    grid = B // BLK
    lang3 = language_id.astype(jnp.int32).reshape(grid, 1, BLK)
    b2 = b.reshape(1, D)

    out = pl.pallas_call(
        _proj_body,
        grid=(grid,),
        in_specs=[
            pl.BlockSpec((1, 1, BLK), lambda i: (i, 0, 0)),
            pl.BlockSpec((BLK, D), lambda i: (i, 0)),
            pl.BlockSpec((NL, LD), lambda i: (0, 0)),
            pl.BlockSpec((D, D), lambda i: (0, 0)),
            pl.BlockSpec((LD, D), lambda i: (D // LD, 0)),
            pl.BlockSpec((1, D), lambda i: (0, 0)),
        ],
        out_specs=pl.BlockSpec((BLK, D), lambda i: (i, 0)),
        out_shape=jax.ShapeDtypeStruct((B, D), jnp.float32),
        compiler_params=pltpu.CompilerParams(
            dimension_semantics=("parallel",),
        ),
    )(lang3, gathered, lang_table, W, W, b2)
    return out

# --- scband reference (transcript-rebuilt; emitter-appended) ---
"""Pipeline reference for scband-voice-packet-embedding-79688823210175 (READ-ONLY COPY).

The authoritative reference and input builder live on the scoring server;
editing this copy changes nothing except your own understanding.
"""

import jax, jax.numpy as jnp
import numpy as np

NUM_VOICES = 100000
VOICE_DIM = 128
NUM_LANGUAGES = 8
BATCH = 16384
LANG_DIM = VOICE_DIM // 4

def setup_inputs(seed: int = 0) -> dict:
    key = jax.random.key(seed)
    k1, k2, k3, k4, k5, k6 = jax.random.split(key, 6)
    voice_id = jax.random.randint(k1, (BATCH,), 0, NUM_VOICES, dtype=jnp.int64 if jax.config.jax_enable_x64 else jnp.int32)
    language_id = jax.random.randint(k2, (BATCH,), 0, NUM_LANGUAGES, dtype=jnp.int64 if jax.config.jax_enable_x64 else jnp.int32)
    voice_table = jax.random.normal(k3, (NUM_VOICES, VOICE_DIM), dtype=jnp.float32)
    lang_table = jax.random.normal(k4, (NUM_LANGUAGES, LANG_DIM), dtype=jnp.float32)
    in_dim = VOICE_DIM + LANG_DIM
    bound = 1.0 / np.sqrt(in_dim)
    W = jax.random.uniform(k5, (in_dim, VOICE_DIM), minval=-bound, maxval=bound, dtype=jnp.float32)
    b = jax.random.uniform(k6, (VOICE_DIM,), minval=-bound, maxval=bound, dtype=jnp.float32)
    return {"voice_id": voice_id, "language_id": language_id, "voice_table": voice_table, "lang_table": lang_table, "W": W, "b": b}

def reference(voice_id, language_id, voice_table, lang_table, W, b):
    # voice_emb = self.voice_embeddings(voice_id)
    voice_emb = jnp.take(voice_table, voice_id, axis=0)
    # lang_emb = self.language_embeddings(language_id)
    lang_emb = jnp.take(lang_table, language_id, axis=0)
    combined = jnp.concatenate([voice_emb, lang_emb], axis=-1)
    # self.proj(combined): Linear(voice_dim + voice_dim//4 -> voice_dim)
    out = combined @ W + b
    return out

if __name__ == "__main__":
    import jax
    _d = setup_inputs()
    print(jax.jit(kernel)(*tuple(_d.values())))

</pallas_src>

<mosaic_0001>
#map = affine_map<(d0, d1) -> (0, 0)>
#map1 = affine_map<(d0, d1) -> (0)>
module attributes {stable_mosaic.version = 14 : i64} {
  func.func @k(%arg0: i32, %arg1: i32, %arg2: memref<100000x128xf32, #tpu.memory_space<hbm>>, %arg3: memref<16384xi32, #tpu.memory_space<hbm>>, %arg4: memref<16384x128xf32, #tpu.memory_space<hbm>>, %arg5: memref<512xi32, #tpu.memory_space<vmem>>, %arg6: memref<512x128xf32, #tpu.memory_space<vmem>>, %arg7: memref<!tpu.dma_semaphore, #tpu.memory_space<semaphore_mem>>, %arg8: memref<!tpu.dma_semaphore, #tpu.memory_space<semaphore_mem>>, %arg9: memref<!tpu.dma_semaphore, #tpu.memory_space<semaphore_mem>>, %arg10: memref<!tpu.dma_semaphore, #tpu.memory_space<semaphore_mem>>, %arg11: memref<!tpu.dma_semaphore, #tpu.memory_space<semaphore_mem>>) attributes {dimension_semantics = [#tpu.dimension_semantics<core_parallel>, #tpu.dimension_semantics<subcore_parallel>], iteration_bounds = array<i64: 2, 16>, scalar_prefetch = 0 : i64, scratch_operands = 7 : i64, tpu.core_type = #tpu.core_type<sc_vector_subcore>, window_params = [{transform_indices = #map}, {transform_indices = #map1}, {transform_indices = #map}]} {
    %mul3A = arith.constant 2 : i32
    %mul3A_0 = arith.muli %arg1, %mul3A : i32
    %add3A = arith.addi %mul3A_0, %arg0 : i32
    %mul3A_1 = arith.constant 512 : i32
    %mul3A_2 = arith.muli %add3A, %mul3A_1 : i32
    "tpu.region"() ({
      %run_scoped3A = tpu.sem_alloc : memref<!tpu.dma_semaphore, #tpu.memory_space<semaphore_mem>>
      %dma_start3A_153 = tpu.memref_slice %arg3[%mul3A_2] : memref<16384xi32, #tpu.memory_space<hbm>> -> memref<512xi32, #tpu.memory_space<hbm>>
      %dma_start3A_154 = tpu.memref_slice %arg3[%mul3A_2] : memref<16384xi32, #tpu.memory_space<hbm>> -> memref<512xi32, #tpu.memory_space<hbm>>
      tpu.enqueue_dma source(%dma_start3A_154 : memref<512xi32, #tpu.memory_space<hbm>>) target(%arg5 : memref<512xi32, #tpu.memory_space<vmem>>) target_semaphore(%run_scoped3A : memref<!tpu.dma_semaphore, #tpu.memory_space<semaphore_mem>>)
      %dma_wait3A_155 = tpu.memref_slice %arg3[%mul3A_2] : memref<16384xi32, #tpu.memory_space<hbm>> -> memref<512xi32, #tpu.memory_space<hbm>>
      %dma_wait3A_156 = tpu.memref_slice %arg3[%mul3A_2] : memref<16384xi32, #tpu.memory_space<hbm>> -> memref<512xi32, #tpu.memory_space<hbm>>
      tpu.wait_dma2 semaphore(%run_scoped3A : memref<!tpu.dma_semaphore, #tpu.memory_space<semaphore_mem>>) src(%dma_wait3A_156 : memref<512xi32, #tpu.memory_space<hbm>>) dst(%arg5 : memref<512xi32, #tpu.memory_space<vmem>>)
      tpu.yield
    }) : () -> ()
    %dma_start3A = arith.constant 0 : i32
    %dma_start3A_3 = arith.constant 0 : i32
    %dma_start3A_4 = tpu.memref_slice %arg6[%dma_start3A, %dma_start3A_3] : memref<512x128xf32, #tpu.memory_space<vmem>> -> memref<128x128xf32, #tpu.memory_space<vmem>>
    %dma_start3A_5 = arith.constant 0 : i32
    %dma_start3A_6 = tpu.memref_slice %arg5[%dma_start3A_5] : memref<512xi32, #tpu.memory_space<vmem>> -> memref<128xi32, #tpu.memory_space<vmem>>
    %dma_start3A_7 = arith.constant 0 : i32
    %dma_start3A_8 = arith.constant 0 : i32
    %dma_start3A_9 = tpu.memref_slice %arg2[%dma_start3A_7, %dma_start3A_8] : memref<100000x128xf32, #tpu.memory_space<hbm>> -> memref<100000x128xf32, #tpu.memory_space<hbm>>
    tpu.enqueue_indirect_dma source(%dma_start3A_9 : memref<100000x128xf32, #tpu.memory_space<hbm>>) target(%dma_start3A_4 : memref<128x128xf32, #tpu.memory_space<vmem>>) offsets(%dma_start3A_6 : memref<128xi32, #tpu.memory_space<vmem>>) semaphore(%arg7 : memref<!tpu.dma_semaphore, #tpu.memory_space<semaphore_mem>>)
    %dma_start3A_10 = arith.constant 128 : i32
    %dma_start3A_11 = arith.constant 0 : i32
    %dma_start3A_12 = tpu.memref_slice %arg6[%dma_start3A_10, %dma_start3A_11] : memref<512x128xf32, #tpu.memory_space<vmem>> -> memref<128x128xf32, #tpu.memory_space<vmem>>
    %dma_start3A_13 = arith.constant 128 : i32
    %dma_start3A_14 = tpu.memref_slice %arg5[%dma_start3A_13] : memref<512xi32, #tpu.memory_space<vmem>> -> memref<128xi32, #tpu.memory_space<vmem>>
    %dma_start3A_15 = arith.constant 0 : i32
    %dma_start3A_16 = arith.constant 0 : i32
    %dma_start3A_17 = tpu.memref_slice %arg2[%dma_start3A_15, %dma_start3A_16] : memref<100000x128xf32, #tpu.memory_space<hbm>> -> memref<100000x128xf32, #tpu.memory_space<hbm>>
    tpu.enqueue_indirect_dma source(%dma_start3A_17 : memref<100000x128xf32, #tpu.memory_space<hbm>>) target(%dma_start3A_12 : memref<128x128xf32, #tpu.memory_space<vmem>>) offsets(%dma_start3A_14 : memref<128xi32, #tpu.memory_space<vmem>>) semaphore(%arg8 : memref<!tpu.dma_semaphore, #tpu.memory_space<semaphore_mem>>)
    %dma_start3A_18 = arith.constant 256 : i32
    %dma_start3A_19 = arith.constant 0 : i32
    %dma_start3A_20 = tpu.memref_slice %arg6[%dma_start3A_18, %dma_start3A_19] : memref<512x128xf32, #tpu.memory_space<vmem>> -> memref<128x128xf32, #tpu.memory_space<vmem>>
    %dma_start3A_21 = arith.constant 256 : i32
    %dma_start3A_22 = tpu.memref_slice %arg5[%dma_start3A_21] : memref<512xi32, #tpu.memory_space<vmem>> -> memref<128xi32, #tpu.memory_space<vmem>>
    %dma_start3A_23 = arith.constant 0 : i32
    %dma_start3A_24 = arith.constant 0 : i32
    %dma_start3A_25 = tpu.memref_slice %arg2[%dma_start3A_23, %dma_start3A_24] : memref<100000x128xf32, #tpu.memory_space<hbm>> -> memref<100000x128xf32, #tpu.memory_space<hbm>>
    tpu.enqueue_indirect_dma source(%dma_start3A_25 : memref<100000x128xf32, #tpu.memory_space<hbm>>) target(%dma_start3A_20 : memref<128x128xf32, #tpu.memory_space<vmem>>) offsets(%dma_start3A_22 : memref<128xi32, #tpu.memory_space<vmem>>) semaphore(%arg9 : memref<!tpu.dma_semaphore, #tpu.memory_space<semaphore_mem>>)
    %dma_start3A_26 = arith.constant 384 : i32
    %dma_start3A_27 = arith.constant 0 : i32
    %dma_start3A_28 = tpu.memref_slice %arg6[%dma_start3A_26, %dma_start3A_27] : memref<512x128xf32, #tpu.memory_space<vmem>> -> memref<128x128xf32, #tpu.memory_space<vmem>>
    %dma_start3A_29 = arith.constant 384 : i32
    %dma_start3A_30 = tpu.memref_slice %arg5[%dma_start3A_29] : memref<512xi32, #tpu.memory_space<vmem>> -> memref<128xi32, #tpu.memory_space<vmem>>
    %dma_start3A_31 = arith.constant 0 : i32
    %dma_start3A_32 = arith.constant 0 : i32
    %dma_start3A_33 = tpu.memref_slice %arg2[%dma_start3A_31, %dma_start3A_32] : memref<100000x128xf32, #tpu.memory_space<hbm>> -> memref<100000x128xf32, #tpu.memory_space<hbm>>
    tpu.enqueue_indirect_dma source(%dma_start3A_33 : memref<100000x128xf32, #tpu.memory_space<hbm>>) target(%dma_start3A_28 : memref<128x128xf32, #tpu.memory_space<vmem>>) offsets(%dma_start3A_30 : memref<128xi32, #tpu.memory_space<vmem>>) semaphore(%arg10 : memref<!tpu.dma_semaphore, #tpu.memory_space<semaphore_mem>>)
    %dma_wait3A = arith.constant 0 : i32
    %dma_wait3A_34 = arith.constant 0 : i32
    %dma_wait3A_35 = tpu.memref_slice %arg6[%dma_wait3A, %dma_wait3A_34] : memref<512x128xf32, #tpu.memory_space<vmem>> -> memref<128x128xf32, #tpu.memory_space<vmem>>
    %dma_wait3A_36 = arith.constant 0 : i32
    %dma_wait3A_37 = tpu.memref_slice %arg5[%dma_wait3A_36] : memref<512xi32, #tpu.memory_space<vmem>> -> memref<128xi32, #tpu.memory_space<vmem>>
    %dma_wait3A_38 = arith.constant 0 : i32
    %dma_wait3A_39 = arith.constant 0 : i32
    %dma_wait3A_40 = tpu.memref_slice %arg2[%dma_wait3A_38, %dma_wait3A_39] : memref<100000x128xf32, #tpu.memory_space<hbm>> -> memref<100000x128xf32, #tpu.memory_space<hbm>>
    tpu.wait_indirect_dma semaphore(%arg7 : memref<!tpu.dma_semaphore, #tpu.memory_space<semaphore_mem>>) src(%dma_wait3A_40 : memref<100000x128xf32, #tpu.memory_space<hbm>>) dst(%dma_wait3A_35 : memref<128x128xf32, #tpu.memory_space<vmem>>)
    %add3A_41 = arith.constant 0 : i32
    %add3A_42 = arith.addi %mul3A_2, %add3A_41 : i32
    %dma_start3A_43 = arith.constant 0 : i32
    %dma_start3A_44 = arith.constant 0 : i32
    %dma_start3A_45 = tpu.memref_slice %arg6[%dma_start3A_43, %dma_start3A_44] : memref<512x128xf32, #tpu.memory_space<vmem>> -> memref<128x128xf32, #tpu.memory_space<vmem>>
    %dma_start3A_46 = arith.constant 0 : i32
    %dma_start3A_47 = tpu.memref_slice %arg4[%add3A_42, %dma_start3A_46] : memref<16384x128xf32, #tpu.memory_space<hbm>> -> memref<128x128xf32, #tpu.memory_space<hbm>>
    %dma_start3A_48 = arith.constant 0 : i32
    %dma_start3A_49 = tpu.memref_slice %arg4[%add3A_42, %dma_start3A_48] : memref<16384x128xf32, #tpu.memory_space<hbm>> -> memref<128x128xf32, #tpu.memory_space<hbm>>
    %dma_start3A_50 = arith.constant 0 : i32
    %dma_start3A_51 = arith.constant 0 : i32
    %dma_start3A_52 = tpu.memref_slice %arg6[%dma_start3A_50, %dma_start3A_51] : memref<512x128xf32, #tpu.memory_space<vmem>> -> memref<128x128xf32, #tpu.memory_space<vmem>>
    tpu.enqueue_dma source(%dma_start3A_52 : memref<128x128xf32, #tpu.memory_space<vmem>>) target(%dma_start3A_49 : memref<128x128xf32, #tpu.memory_space<hbm>>) target_semaphore(%arg11 : memref<!tpu.dma_semaphore, #tpu.memory_space<semaphore_mem>>)
    %dma_wait3A_53 = arith.constant 128 : i32
    %dma_wait3A_54 = arith.constant 0 : i32
    %dma_wait3A_55 = tpu.memref_slice %arg6[%dma_wait3A_53, %dma_wait3A_54] : memref<512x128xf32, #tpu.memory_space<vmem>> -> memref<128x128xf32, #tpu.memory_space<vmem>>
    %dma_wait3A_56 = arith.constant 128 : i32
    %dma_wait3A_57 = tpu.memref_slice %arg5[%dma_wait3A_56] : memref<512xi32, #tpu.memory_space<vmem>> -> memref<128xi32, #tpu.memory_space<vmem>>
    %dma_wait3A_58 = arith.constant 0 : i32
    %dma_wait3A_59 = arith.constant 0 : i32
    %dma_wait3A_60 = tpu.memref_slice %arg2[%dma_wait3A_58, %dma_wait3A_59] : memref<100000x128xf32, #tpu.memory_space<hbm>> -> memref<100000x128xf32, #tpu.memory_space<hbm>>
    tpu.wait_indirect_dma semaphore(%arg8 : memref<!tpu.dma_semaphore, #tpu.memory_space<semaphore_mem>>) src(%dma_wait3A_60 : memref<100000x128xf32, #tpu.memory_space<hbm>>) dst(%dma_wait3A_55 : memref<128x128xf32, #tpu.memory_space<vmem>>)
    %add3A_61 = arith.constant 128 : i32
    %add3A_62 = arith.addi %mul3A_2, %add3A_61 : i32
    %dma_start3A_63 = arith.constant 128 : i32
    %dma_start3A_64 = arith.constant 0 : i32
    %dma_start3A_65 = tpu.memref_slice %arg6[%dma_start3A_63, %dma_start3A_64] : memref<512x128xf32, #tpu.memory_space<vmem>> -> memref<128x128xf32, #tpu.memory_space<vmem>>
    %dma_start3A_66 = arith.constant 0 : i32
    %dma_start3A_67 = tpu.memref_slice %arg4[%add3A_62, %dma_start3A_66] : memref<16384x128xf32, #tpu.memory_space<hbm>> -> memref<128x128xf32, #tpu.memory_space<hbm>>
    %dma_start3A_68 = arith.constant 0 : i32
    %dma_start3A_69 = tpu.memref_slice %arg4[%add3A_62, %dma_start3A_68] : memref<16384x128xf32, #tpu.memory_space<hbm>> -> memref<128x128xf32, #tpu.memory_space<hbm>>
    %dma_start3A_70 = arith.constant 128 : i32
    %dma_start3A_71 = arith.constant 0 : i32
    %dma_start3A_72 = tpu.memref_slice %arg6[%dma_start3A_70, %dma_start3A_71] : memref<512x128xf32, #tpu.memory_space<vmem>> -> memref<128x128xf32, #tpu.memory_space<vmem>>
    tpu.enqueue_dma source(%dma_start3A_72 : memref<128x128xf32, #tpu.memory_space<vmem>>) target(%dma_start3A_69 : memref<128x128xf32, #tpu.memory_space<hbm>>) target_semaphore(%arg11 : memref<!tpu.dma_semaphore, #tpu.memory_space<semaphore_mem>>)
    %dma_wait3A_73 = arith.constant 256 : i32
    %dma_wait3A_74 = arith.constant 0 : i32
    %dma_wait3A_75 = tpu.memref_slice %arg6[%dma_wait3A_73, %dma_wait3A_74] : memref<512x128xf32, #tpu.memory_space<vmem>> -> memref<128x128xf32, #tpu.memory_space<vmem>>
    %dma_wait3A_76 = arith.constant 256 : i32
    %dma_wait3A_77 = tpu.memref_slice %arg5[%dma_wait3A_76] : memref<512xi32, #tpu.memory_space<vmem>> -> memref<128xi32, #tpu.memory_space<vmem>>
    %dma_wait3A_78 = arith.constant 0 : i32
    %dma_wait3A_79 = arith.constant 0 : i32
    %dma_wait3A_80 = tpu.memref_slice %arg2[%dma_wait3A_78, %dma_wait3A_79] : memref<100000x128xf32, #tpu.memory_space<hbm>> -> memref<100000x128xf32, #tpu.memory_space<hbm>>
    tpu.wait_indirect_dma semaphore(%arg9 : memref<!tpu.dma_semaphore, #tpu.memory_space<semaphore_mem>>) src(%dma_wait3A_80 : memref<100000x128xf32, #tpu.memory_space<hbm>>) dst(%dma_wait3A_75 : memref<128x128xf32, #tpu.memory_space<vmem>>)
    %add3A_81 = arith.constant 256 : i32
    %add3A_82 = arith.addi %mul3A_2, %add3A_81 : i32
    %dma_start3A_83 = arith.constant 256 : i32
    %dma_start3A_84 = arith.constant 0 : i32
    %dma_start3A_85 = tpu.memref_slice %arg6[%dma_start3A_83, %dma_start3A_84] : memref<512x128xf32, #tpu.memory_space<vmem>> -> memref<128x128xf32, #tpu.memory_space<vmem>>
    %dma_start3A_86 = arith.constant 0 : i32
    %dma_start3A_87 = tpu.memref_slice %arg4[%add3A_82, %dma_start3A_86] : memref<16384x128xf32, #tpu.memory_space<hbm>> -> memref<128x128xf32, #tpu.memory_space<hbm>>
    %dma_start3A_88 = arith.constant 0 : i32
    %dma_start3A_89 = tpu.memref_slice %arg4[%add3A_82, %dma_start3A_88] : memref<16384x128xf32, #tpu.memory_space<hbm>> -> memref<128x128xf32, #tpu.memory_space<hbm>>
    %dma_start3A_90 = arith.constant 256 : i32
    %dma_start3A_91 = arith.constant 0 : i32
    %dma_start3A_92 = tpu.memref_slice %arg6[%dma_start3A_90, %dma_start3A_91] : memref<512x128xf32, #tpu.memory_space<vmem>> -> memref<128x128xf32, #tpu.memory_space<vmem>>
    tpu.enqueue_dma source(%dma_start3A_92 : memref<128x128xf32, #tpu.memory_space<vmem>>) target(%dma_start3A_89 : memref<128x128xf32, #tpu.memory_space<hbm>>) target_semaphore(%arg11 : memref<!tpu.dma_semaphore, #tpu.memory_space<semaphore_mem>>)
    %dma_wait3A_93 = arith.constant 384 : i32
    %dma_wait3A_94 = arith.constant 0 : i32
    %dma_wait3A_95 = tpu.memref_slice %arg6[%dma_wait3A_93, %dma_wait3A_94] : memref<512x128xf32, #tpu.memory_space<vmem>> -> memref<128x128xf32, #tpu.memory_space<vmem>>
    %dma_wait3A_96 = arith.constant 384 : i32
    %dma_wait3A_97 = tpu.memref_slice %arg5[%dma_wait3A_96] : memref<512xi32, #tpu.memory_space<vmem>> -> memref<128xi32, #tpu.memory_space<vmem>>
    %dma_wait3A_98 = arith.constant 0 : i32
    %dma_wait3A_99 = arith.constant 0 : i32
    %dma_wait3A_100 = tpu.memref_slice %arg2[%dma_wait3A_98, %dma_wait3A_99] : memref<100000x128xf32, #tpu.memory_space<hbm>> -> memref<100000x128xf32, #tpu.memory_space<hbm>>
    tpu.wait_indirect_dma semaphore(%arg10 : memref<!tpu.dma_semaphore, #tpu.memory_space<semaphore_mem>>) src(%dma_wait3A_100 : memref<100000x128xf32, #tpu.memory_space<hbm>>) dst(%dma_wait3A_95 : memref<128x128xf32, #tpu.memory_space<vmem>>)
    %add3A_101 = arith.constant 384 : i32
    %add3A_102 = arith.addi %mul3A_2, %add3A_101 : i32
    %dma_start3A_103 = arith.constant 384 : i32
    %dma_start3A_104 = arith.constant 0 : i32
    %dma_start3A_105 = tpu.memref_slice %arg6[%dma_start3A_103, %dma_start3A_104] : memref<512x128xf32, #tpu.memory_space<vmem>> -> memref<128x128xf32, #tpu.memory_space<vmem>>
    %dma_start3A_106 = arith.constant 0 : i32
    %dma_start3A_107 = tpu.memref_slice %arg4[%add3A_102, %dma_start3A_106] : memref<16384x128xf32, #tpu.memory_space<hbm>> -> memref<128x128xf32, #tpu.memory_space<hbm>>
    %dma_start3A_108 = arith.constant 0 : i32
    %dma_start3A_109 = tpu.memref_slice %arg4[%add3A_102, %dma_start3A_108] : memref<16384x128xf32, #tpu.memory_space<hbm>> -> memref<128x128xf32, #tpu.memory_space<hbm>>
    %dma_start3A_110 = arith.constant 384 : i32
    %dma_start3A_111 = arith.constant 0 : i32
    %dma_start3A_112 = tpu.memref_slice %arg6[%dma_start3A_110, %dma_start3A_111] : memref<512x128xf32, #tpu.memory_space<vmem>> -> memref<128x128xf32, #tpu.memory_space<vmem>>
    tpu.enqueue_dma source(%dma_start3A_112 : memref<128x128xf32, #tpu.memory_space<vmem>>) target(%dma_start3A_109 : memref<128x128xf32, #tpu.memory_space<hbm>>) target_semaphore(%arg11 : memref<!tpu.dma_semaphore, #tpu.memory_space<semaphore_mem>>)
    %dma_wait3A_113 = arith.constant 0 : i32
    %dma_wait3A_114 = arith.constant 0 : i32
    %dma_wait3A_115 = tpu.memref_slice %arg6[%dma_wait3A_113, %dma_wait3A_114] : memref<512x128xf32, #tpu.memory_space<vmem>> -> memref<128x128xf32, #tpu.memory_space<vmem>>
    %dma_wait3A_116 = arith.constant 0 : i32
    %dma_wait3A_117 = tpu.memref_slice %arg4[%add3A_42, %dma_wait3A_116] : memref<16384x128xf32, #tpu.memory_space<hbm>> -> memref<128x128xf32, #tpu.memory_space<hbm>>
    %dma_wait3A_118 = arith.constant 0 : i32
    %dma_wait3A_119 = tpu.memref_slice %arg4[%add3A_42, %dma_wait3A_118] : memref<16384x128xf32, #tpu.memory_space<hbm>> -> memref<128x128xf32, #tpu.memory_space<hbm>>
    %dma_wait3A_120 = arith.constant 0 : i32
    %dma_wait3A_121 = arith.constant 0 : i32
    %dma_wait3A_122 = tpu.memref_slice %arg6[%dma_wait3A_120, %dma_wait3A_121] : memref<512x128xf32, #tpu.memory_space<vmem>> -> memref<128x128xf32, #tpu.memory_space<vmem>>
    tpu.wait_dma2 semaphore(%arg11 : memref<!tpu.dma_semaphore, #tpu.memory_space<semaphore_mem>>) src(%dma_wait3A_122 : memref<128x128xf32, #tpu.memory_space<vmem>>) dst(%dma_wait3A_119 : memref<128x128xf32, #tpu.memory_space<hbm>>)
    %dma_wait3A_123 = arith.constant 128 : i32
    %dma_wait3A_124 = arith.constant 0 : i32
    %dma_wait3A_125 = tpu.memref_slice %arg6[%dma_wait3A_123, %dma_wait3A_124] : memref<512x128xf32, #tpu.memory_space<vmem>> -> memref<128x128xf32, #tpu.memory_space<vmem>>
    %dma_wait3A_126 = arith.constant 0 : i32
    %dma_wait3A_127 = tpu.memref_slice %arg4[%add3A_62, %dma_wait3A_126] : memref<16384x128xf32, #tpu.memory_space<hbm>> -> memref<128x128xf32, #tpu.memory_space<hbm>>
    %dma_wait3A_128 = arith.constant 0 : i32
    %dma_wait3A_129 = tpu.memref_slice %arg4[%add3A_62, %dma_wait3A_128] : memref<16384x128xf32, #tpu.memory_space<hbm>> -> memref<128x128xf32, #tpu.memory_space<hbm>>
    %dma_wait3A_130 = arith.constant 128 : i32
    %dma_wait3A_131 = arith.constant 0 : i32
    %dma_wait3A_132 = tpu.memref_slice %arg6[%dma_wait3A_130, %dma_wait3A_131] : memref<512x128xf32, #tpu.memory_space<vmem>> -> memref<128x128xf32, #tpu.memory_space<vmem>>
    tpu.wait_dma2 semaphore(%arg11 : memref<!tpu.dma_semaphore, #tpu.memory_space<semaphore_mem>>) src(%dma_wait3A_132 : memref<128x128xf32, #tpu.memory_space<vmem>>) dst(%dma_wait3A_129 : memref<128x128xf32, #tpu.memory_space<hbm>>)
    %dma_wait3A_133 = arith.constant 256 : i32
    %dma_wait3A_134 = arith.constant 0 : i32
    %dma_wait3A_135 = tpu.memref_slice %arg6[%dma_wait3A_133, %dma_wait3A_134] : memref<512x128xf32, #tpu.memory_space<vmem>> -> memref<128x128xf32, #tpu.memory_space<vmem>>
    %dma_wait3A_136 = arith.constant 0 : i32
    %dma_wait3A_137 = tpu.memref_slice %arg4[%add3A_82, %dma_wait3A_136] : memref<16384x128xf32, #tpu.memory_space<hbm>> -> memref<128x128xf32, #tpu.memory_space<hbm>>
    %dma_wait3A_138 = arith.constant 0 : i32
    %dma_wait3A_139 = tpu.memref_slice %arg4[%add3A_82, %dma_wait3A_138] : memref<16384x128xf32, #tpu.memory_space<hbm>> -> memref<128x128xf32, #tpu.memory_space<hbm>>
    %dma_wait3A_140 = arith.constant 256 : i32
    %dma_wait3A_141 = arith.constant 0 : i32
    %dma_wait3A_142 = tpu.memref_slice %arg6[%dma_wait3A_140, %dma_wait3A_141] : memref<512x128xf32, #tpu.memory_space<vmem>> -> memref<128x128xf32, #tpu.memory_space<vmem>>
    tpu.wait_dma2 semaphore(%arg11 : memref<!tpu.dma_semaphore, #tpu.memory_space<semaphore_mem>>) src(%dma_wait3A_142 : memref<128x128xf32, #tpu.memory_space<vmem>>) dst(%dma_wait3A_139 : memref<128x128xf32, #tpu.memory_space<hbm>>)
    %dma_wait3A_143 = arith.constant 384 : i32
    %dma_wait3A_144 = arith.constant 0 : i32
    %dma_wait3A_145 = tpu.memref_slice %arg6[%dma_wait3A_143, %dma_wait3A_144] : memref<512x128xf32, #tpu.memory_space<vmem>> -> memref<128x128xf32, #tpu.memory_space<vmem>>
    %dma_wait3A_146 = arith.constant 0 : i32
    %dma_wait3A_147 = tpu.memref_slice %arg4[%add3A_102, %dma_wait3A_146] : memref<16384x128xf32, #tpu.memory_space<hbm>> -> memref<128x128xf32, #tpu.memory_space<hbm>>
    %dma_wait3A_148 = arith.constant 0 : i32
    %dma_wait3A_149 = tpu.memref_slice %arg4[%add3A_102, %dma_wait3A_148] : memref<16384x128xf32, #tpu.memory_space<hbm>> -> memref<128x128xf32, #tpu.memory_space<hbm>>
    %dma_wait3A_150 = arith.constant 384 : i32
    %dma_wait3A_151 = arith.constant 0 : i32
    %dma_wait3A_152 = tpu.memref_slice %arg6[%dma_wait3A_150, %dma_wait3A_151] : memref<512x128xf32, #tpu.memory_space<vmem>> -> memref<128x128xf32, #tpu.memory_space<vmem>>
    tpu.wait_dma2 semaphore(%arg11 : memref<!tpu.dma_semaphore, #tpu.memory_space<semaphore_mem>>) src(%dma_wait3A_152 : memref<128x128xf32, #tpu.memory_space<vmem>>) dst(%dma_wait3A_149 : memref<128x128xf32, #tpu.memory_space<hbm>>)
    return
  }
}

module attributes {stable_mosaic.version = 14 : i64} {
  func.func @_proj_body(%arg0: i32, %arg1: memref<1x1x8192xi32, #tpu.memory_space<vmem>>, %arg2: memref<8192x128xf32, #tpu.memory_space<vmem>>, %arg3: memref<8x32xf32, #tpu.memory_space<vmem>>, %arg4: memref<128x128xf32, #tpu.memory_space<vmem>>, %arg5: memref<32x128xf32, #tpu.memory_space<vmem>>, %arg6: memref<1x128xf32, #tpu.memory_space<vmem>>, %arg7: memref<8192x128xf32, #tpu.memory_space<vmem>>) attributes {dimension_semantics = [#tpu.dimension_semantics<parallel>], iteration_bounds = array<i64: 2>, scalar_prefetch = 0 : i64, scratch_operands = 0 : i64, tpu.core_type = #tpu.core_type<tc>, window_params = [{transform_indices = @transform_0, window_bounds = array<i64: 1, 1, 8192>}, {transform_indices = @transform_1, window_bounds = array<i64: 8192, 128>}, {pipeline_mode = #tpu.pipeline_mode<synchronous>, transform_indices = @transform_2, window_bounds = array<i64: 8, 32>}, {transform_indices = @transform_3, window_bounds = array<i64: 128, 128>}, {transform_indices = @transform_4, window_bounds = array<i64: 32, 128>}, {pipeline_mode = #tpu.pipeline_mode<synchronous>, transform_indices = @transform_5, window_bounds = array<i64: 1, 128>}, {transform_indices = @transform_6, window_bounds = array<i64: 8192, 128>}]} {
    %get3A = arith.constant 0 : index
    %get3A_0 = arith.constant 0 : index
    %get3A_1 = vector.load %arg2[%get3A, %get3A_0] : memref<8192x128xf32, #tpu.memory_space<vmem>>, vector<8192x128xf32>
    %get3A_2 = arith.constant 0 : index
    %get3A_3 = arith.constant 0 : index
    %get3A_4 = vector.load %arg3[%get3A_2, %get3A_3] : memref<8x32xf32, #tpu.memory_space<vmem>>, vector<8x32xf32>
    %get3A_5 = arith.constant 0 : index
    %get3A_6 = arith.constant 0 : index
    %get3A_7 = vector.load %arg5[%get3A_5, %get3A_6] : memref<32x128xf32, #tpu.memory_space<vmem>>, vector<32x128xf32>
    %dot_general3A = arith.constant dense<0.000000e+00> : vector<8x128xf32>
    %dot_general3A_8 = tpu.matmul %get3A_4, %get3A_7, %dot_general3A {dimension_numbers = #tpu.dot_dimension_numbers<[1], [0], [0], [1], [0, 0, 1, 1], [], []>, transpose_lhs_hint = false} : vector<8x32xf32>, vector<32x128xf32>, vector<8x128xf32> -> vector<8x128xf32>
    %get3A_9 = arith.constant 0 : index
    %get3A_10 = arith.constant 0 : index
    %get3A_11 = vector.load %arg6[%get3A_9, %get3A_10] : memref<1x128xf32, #tpu.memory_space<vmem>>, vector<1x128xf32>
    %add3A = vector.broadcast %get3A_11 : vector<1x128xf32> to vector<8x128xf32>
    %add3A_12 = arith.addf %dot_general3A_8, %add3A : vector<8x128xf32>
    %get3A_13 = arith.constant 0 : index
    %get3A_14 = arith.constant 0 : index
    %get3A_15 = arith.constant 0 : index
    %get3A_16 = vector.load %arg1[%get3A_13, %get3A_14, %get3A_15] : memref<1x1x8192xi32, #tpu.memory_space<vmem>>, vector<1x1x8192xi32>
    %get3A_17 = vector.shape_cast %get3A_16 : vector<1x1x8192xi32> to vector<8192xi32>
    %reshape3A = vector.shape_cast %get3A_17 : vector<8192xi32> to vector<8192x1xi32>
    %iota3A = tpu.iota {dimensions = array<i32: 1>} : vector<1x8xi32>
    %eq3A = vector.broadcast %reshape3A : vector<8192x1xi32> to vector<8192x8xi32>
    %eq3A_18 = vector.broadcast %iota3A : vector<1x8xi32> to vector<8192x8xi32>
    %eq3A_19 = arith.cmpi eq, %eq3A, %eq3A_18 : vector<8192x8xi32>
    %convert_element_type3A = arith.extui %eq3A_19 : vector<8192x8xi1> to vector<8192x8xi32>
    %convert_element_type3A_20 = arith.sitofp %convert_element_type3A : vector<8192x8xi32> to vector<8192x8xf32>
    %get3A_21 = arith.constant 0 : index
    %get3A_22 = arith.constant 0 : index
    %get3A_23 = vector.load %arg4[%get3A_21, %get3A_22] : memref<128x128xf32, #tpu.memory_space<vmem>>, vector<128x128xf32>
    %dot_general3A_24 = arith.constant dense<0.000000e+00> : vector<8192x128xf32>
    %dot_general3A_25 = tpu.matmul %get3A_1, %get3A_23, %dot_general3A_24 {dimension_numbers = #tpu.dot_dimension_numbers<[1], [0], [0], [1], [0, 0, 1, 1], [], []>, transpose_lhs_hint = false} : vector<8192x128xf32>, vector<128x128xf32>, vector<8192x128xf32> -> vector<8192x128xf32>
    %dot_general3A_26 = arith.constant dense<0.000000e+00> : vector<8192x128xf32>
    %dot_general3A_27 = tpu.matmul %convert_element_type3A_20, %add3A_12, %dot_general3A_26 {dimension_numbers = #tpu.dot_dimension_numbers<[1], [0], [0], [1], [0, 0, 1, 1], [], []>, transpose_lhs_hint = false} : vector<8192x8xf32>, vector<8x128xf32>, vector<8192x128xf32> -> vector<8192x128xf32>
    %add3A_28 = arith.addf %dot_general3A_25, %dot_general3A_27 : vector<8192x128xf32>
    %swap3A = arith.constant 0 : index
    %swap3A_29 = arith.constant 0 : index
    %swap3A_30 = vector.load %arg7[%swap3A, %swap3A_29] : memref<8192x128xf32, #tpu.memory_space<vmem>>, vector<8192x128xf32>
    tpu.vector_store %arg7[%swap3A, %swap3A_29], %add3A_28 {strides = array<i32>} : memref<8192x128xf32, #tpu.memory_space<vmem>>, vector<8192x128xf32>,
    return
  }
  func.func @transform_0(%arg0: i32) -> (i32, i32, i32) {
    %c0_i32 = arith.constant 0 : i32
    %c0_i32_0 = arith.constant 0 : i32
    %c0_i32_1 = arith.constant 0 : i32
    return %arg0, %c0_i32, %c0_i32_0 : i32, i32, i32
  }
  func.func @transform_1(%arg0: i32) -> (i32, i32) {
    %c0_i32 = arith.constant 0 : i32
    %c0_i32_0 = arith.constant 0 : i32
    return %arg0, %c0_i32 : i32, i32
  }
  func.func @transform_2(%arg0: i32) -> (i32, i32) {
    %c0_i32 = arith.constant 0 : i32
    %c0_i32_0 = arith.constant 0 : i32
    %c0_i32_1 = arith.constant 0 : i32
    return %c0_i32, %c0_i32_0 : i32, i32
  }
  func.func @transform_3(%arg0: i32) -> (i32, i32) {
    %c0_i32 = arith.constant 0 : i32
    %c0_i32_0 = arith.constant 0 : i32
    %c0_i32_1 = arith.constant 0 : i32
    return %c0_i32, %c0_i32_0 : i32, i32
  }
  func.func @transform_4(%arg0: i32) -> (i32, i32) {
    %c4_i32 = arith.constant 4 : i32
    %c0_i32 = arith.constant 0 : i32
    %c0_i32_0 = arith.constant 0 : i32
    return %c4_i32, %c0_i32 : i32, i32
  }
  func.func @transform_5(%arg0: i32) -> (i32, i32) {
    %c0_i32 = arith.constant 0 : i32
    %c0_i32_0 = arith.constant 0 : i32
    %c0_i32_1 = arith.constant 0 : i32
    return %c0_i32, %c0_i32_0 : i32, i32
  }
  func.func @transform_6(%arg0: i32) -> (i32, i32) {
    %c0_i32 = arith.constant 0 : i32
    %c0_i32_0 = arith.constant 0 : i32
    return %arg0, %c0_i32 : i32, i32
  }
}

</mosaic_0001>

<sc_bundles>
// kernel: kernel.4.cloned.1.call-start
scs
__scs_entry_jumppad:
0x0: {  	(pc) =	sbr.rel $0x88, $3  }
0x1: {  	(tag) =	ssettag $0x0;
	lr =	simm.s32 $0x1  }
0x2: {  	[smem:$0x3F9B] =	sst lr;
	_ =	strace $0xD0000000  }
0x3: {  	_ = 	snop  }
0x4: {  	_ = 	snop  }
0x5: {  	_ = 	snop  }
0x6: {  	_ = 	snop  }
0x7: {  	_ = 	snop  }
__scs_overlays_trampoline_lowered:
0x8: {  	[smem:$0x3FAA] =	sst s0  }
0x9: {  	[smem:$0x3FAB] =	sst s1  }
0xa: {  	[smem:$0x3FAC] =	sst s2  }
0xb: {  	[smem:$0x3FAD] =	sst s3  }
0xc: {  	[smem:$0x3FAE] =	sst s4  }
0xd: {  	[smem:$0x3FAF] =	sst s5  }
0xe: {  	[smem:$0x3FB0] =	sst s6  }
0xf: {  	[smem:$0x3FB1] =	sst s7  }
0x10: {  	[smem:$0x3FB2] =	sst s8  }
0x11: {  	[smem:$0x3FB3] =	sst s9;
	s0 =	simm.s32 @!p0 $0x0  }
0x12: {  	s1 =	sld [smem:$0x3F99];
	s0 =	simm.s32 @p0 $0x1  }
0x13: {  	[smem:$0x3FB4] =	sst s0;
	s0 =	simm.s32 @!p1 $0x0  }
0x14: {  	s2 =	sld [smem:$0x3F98];
	s0 =	simm.s32 @p1 $0x1  }
0x15: {  	[smem:$0x3FB5] =	sst s0;
	s0 =	simm.s32 @!p2 $0x0  }
0x16: {  	s3 =	sld [smem:$0x3FDB];
	s0 =	simm.s32 @p2 $0x1  }
0x17: {  	s4 =	simm.s32 $0x1BF5;
	[smem:$0x3FB7] =	sst s0  }
0x18: {  	s0 =	sld [smem:$0x3F9A];
	_ =	swait.ge [sflag:s4], $0x0  }
0x19: {  	s7 =	sld [smem:$0x3F9B]  }
0x1a: {  	s8 =	sadd.s32 $0xFFFFE003, lr  }
0x1b: {  	s9 =	sadd.s32 $0xFFFFFEF7, lr;
	s5 =	simm.s32 $0xFFFFFFFF;
	p2 =	slt.u32 s8, $0xFFFFF086  }
0x1c: {  	p1 =	slt.u32 s9, $0xF7A;
	s5 =	simm.s32 @!p2 $0x0  }
0x1d: {  	s5 =	simm.s32 @p1 $0x1;
	p0 =	seq.s32 s7, s2  }
0x1e: {  	s7 =	smul.u32 @!p0 $0xF7A, s2;
	p2 =	seq.s32 @!p0 s5, $0x0  }
0x1f: {  	s9 =	smul.u32 $0xF7A, s1;
	s8 =	simm.s32 @!p0 $0x1BF5;
	p2 =	por !p2, p0  }
0x20: {  	[sflag:s8] =	ssyncset.s32 @!p0 $0xFFFFF086;
	s6 =	sadd.s32 @!p0 s3, s7;
	s7 =	simm.s32 @!p0 $0x108  }
0x21: {  	s3 =	sadd.s32 s3, s9;
	s6 =	sadd.s32 @!p0 $0x88, s6;
	s7 =	simm.s32 @p2 $0x1082  }
0x22: {  	[simem:s7], [sflag:s8] =	dma.local @!p0 [hbm:s6], $0xF7A  }
0x23: {  	s9 =	sor.u32 $0xD0000000, s2;
	s6 =	simm.s32 $0x108;
	_ =	swait.ge @!p0 [sflag:s8], $0x0  }
0x24: {  	s3 =	sadd.s32 $0x88, s3;
	s6 =	simm.s32 @!p1 $0x1082;
	[sflag:s4] =	ssyncset.s32 $0xFFFFF086  }
0x25: {  	[simem:s6], [sflag:s4] =	dma.local [hbm:s3], $0xF7A  }
0x26: {  	[smem:$0x3F9B] =	sst s1;
	(tag) =	ssettag s2;
	_ =	strace s9  }
0x27: {  	s1 =	sld [smem:$0x3FAB]  }
0x28: {  	s2 =	sld [smem:$0x3FAC]  }
0x29: {  	s4 =	sld [smem:$0x3FAE]  }
0x2a: {  	p0 =	seq.s32 s5, $0x0;
	s5 =	sld [smem:$0x3FAF]  }
0x2b: {  	s6 =	sld [smem:$0x3FB0]  }
0x2c: {  	s7 =	sld [smem:$0x3FB1]  }
0x2d: {  	s3 =	simm.s32 $0x108;
	s8 =	sld [smem:$0x3FB2]  }
0x2e: {  	s3 =	simm.s32 @!p0 $0x1082;
	s9 =	sld [smem:$0x3FB3]  }
0x2f: {  	lr =	sadd.s32 s0, s3;
	s0 =	sld [smem:$0x3FAA]  }
0x30: {  	s3 =	sld [smem:$0x3FAD]  }
0x31: {  	[smem:$0x3FB6] =	sst s10  }
0x32: {  	s10 =	sld [smem:$0x3FB4];
	_ =	sdelay $0x3  }
0x33: {  	p0 =	seq.s32 s10, $0x1;
	s10 =	sld [smem:$0x3FB6];
	_ =	sdelay $0x3  }
0x34: {  	[smem:$0x3FB6] =	sst s10  }
0x35: {  	s10 =	sld [smem:$0x3FB5];
	_ =	sdelay $0x3  }
0x36: {  	p1 =	seq.s32 s10, $0x1;
	s10 =	sld [smem:$0x3FB6];
	_ =	sdelay $0x3  }
0x37: {  	[smem:$0x3FB6] =	sst s10  }
0x38: {  	s10 =	sld [smem:$0x3FB7]  }
0x39: {  	_ = 	snop;
	(pc) =	sbr.ind lr, $3  }
0x3a: {  	_ = 	snop  }
0x3b: {  	_ = 	snop  }
0x3c: {  	p2 =	seq.s32 s10, $0x1;
	s10 =	sld [smem:$0x3FB6]  }
0x3d: {  	_ =	shalt  }
0x3e: {  	_ =	shalt  }
0x3f: {  	_ =	shalt  }
0x40: {  	_ =	shalt  }
0x41: {  	_ =	shalt  }
0x42: {  	_ =	shalt  }
0x43: {  	_ =	shalt  }
0x44: {  	_ =	shalt  }
0x45: {  	_ =	shalt  }
0x46: {  	_ =	shalt  }
0x47: {  	_ =	shalt  }
0x48: {  	_ =	shalt  }
0x49: {  	_ =	shalt  }
0x4a: {  	_ =	shalt  }
0x4b: {  	_ =	shalt  }
0x4c: {  	_ =	shalt  }
0x4d: {  	_ =	shalt  }
0x4e: {  	_ =	shalt  }
0x4f: {  	_ =	shalt  }
0x50: {  	_ =	shalt  }
0x51: {  	_ =	shalt  }
0x52: {  	_ =	shalt  }
0x53: {  	_ =	shalt  }
0x54: {  	_ =	shalt  }
0x55: {  	_ =	shalt  }
0x56: {  	_ =	shalt  }
0x57: {  	_ =	shalt  }
0x58: {  	_ =	shalt  }
0x59: {  	_ =	shalt  }
0x5a: {  	_ =	shalt  }
0x5b: {  	_ =	shalt  }
0x5c: {  	_ =	shalt  }
0x5d: {  	_ =	shalt  }
0x5e: {  	_ =	shalt  }
0x5f: {  	_ =	shalt  }
0x60: {  	_ =	shalt  }
0x61: {  	_ =	shalt  }
0x62: {  	_ =	shalt  }
0x63: {  	_ =	shalt  }
0x64: {  	_ =	shalt  }
0x65: {  	_ =	shalt  }
0x66: {  	_ =	shalt  }
0x67: {  	_ =	shalt  }
0x68: {  	_ =	shalt  }
0x69: {  	_ =	shalt  }
0x6a: {  	_ =	shalt  }
0x6b: {  	_ =	shalt  }
0x6c: {  	_ =	shalt  }
0x6d: {  	_ =	shalt  }
0x6e: {  	_ =	shalt  }
0x6f: {  	_ =	shalt  }
0x70: {  	_ =	shalt  }
0x71: {  	_ =	shalt  }
0x72: {  	_ =	shalt  }
0x73: {  	_ =	shalt  }
0x74: {  	_ =	shalt  }
0x75: {  	_ =	shalt  }
0x76: {  	_ =	shalt  }
0x77: {  	_ =	shalt  }
0x78: {  	_ =	shalt  }
0x79: {  	_ =	shalt  }
0x7a: {  	_ =	shalt  }
0x7b: {  	_ =	shalt  }
0x7c: {  	_ =	shalt  }
0x7d: {  	_ =	shalt  }
0x7e: {  	_ =	shalt  }
0x7f: {  	_ =	shalt  }
0x80: {  	_ =	shalt  }
0x81: {  	_ =	shalt  }
0x82: {  	_ =	shalt  }
0x83: {  	_ =	shalt  }
0x84: {  	_ =	shalt  }
0x85: {  	_ =	shalt  }
0x86: {  	_ =	shalt  }
0x87: {  	_ =	shalt  }
.Lfunc_end0:
.L_simem_size_0:
called_computation_lowered:
.L_overlay_start_0:
0x88: {  	s2 =	sld [smem:$0x3FD9]  }
0x89: {  	s3 =	sld [smem:$0x3FFE];
	_ =	sdelay $0x1  }
0x8a: {  	s1 =	srdreg.scid  }
0x8b: {  	s0 =	sand.u32 $0x1, s1  }
0x8c: {  	s18 =	sshll.u32 s0, $0xA;
	s2 =	sadd.s32 s3, s2  }
0x8d: {  	s2 =	sadd.s32 s2, s18  }
0x8e: {  	[smem:$0x3FC2] =	sst s2  }
0x8f: {  	_ = 	snop  }
0x90: {  	s2 =	sld [smem:$0x3FC9]  }
0x91: {  	s19 =	sld [smem:$0x3FC7]  }
0x92: {  	s4 =	sld [smem:$0x3FD0];
	(tm) =	ssettm $0x1  }
0x93: {  	s5 =	sld [smem:$0x3FFB];
	_ =	sdelay $0x3  }
0x94: {  	_ =	strace s5  }
0x95: {  	s5 =	sld [smem:$0x3FFC];
	_ =	sdelay $0x3  }
0x96: {  	_ =	strace s5  }
0x97: {  	s5 =	sld [smem:$0x3FFD];
	_ =	sdelay $0x3  }
0x98: {  	_ =	strace s5  }
0x99: {  	_ =	strace $0x8FFFFFFF  }
0x9a: {  	s20 =	sld [smem:$0x3FDB];
	_ =	sdelay $0x1  }
0x9b: {  	s6 =	simm.s32 $_scs_section_size  }
0x9c: {  	s7 =	simm.s32 $_size__tile_overlayer_lowered;
	s8 =	simm.s32 $_tile_overlayer_lowered  }
0x9d: {  	s23 =	simm.s32 $0x1BFF;
	s22 =	sshll.u32 s8, $0x1;
	s5 =	sadd.s32 s6, s20  }
0x9e: {  	s9 =	simm.s32 $0x0;
	s21 =	sshll.u32 s7, $0x1;
	s7 =	sadd.s32 s22, s5  }
0x9f: {  	[timem:s9], [sflag:s23] =	dma.local [hbm:s7], s21  }
0xa0: {  	_ =	swait.ge [sflag:s23], s21  }
0xa1: {  	s6 =	ssub.s32 $0x0, s21;
	[sflag:s23] =	ssyncset.done $0x0  }
0xa2: {  	[sflag:s23] =	ssyncadd.s32 s6;
	_ =	sdelay $0x1  }
0xa3: {  	s24 =	simm.s32 $0x1B8B  }
0xa4: {  	_ =	swait.ge [sflag:s24], $0x1  }
0xa5: {  	[sflag:s24] =	ssyncset.done $0x0  }
0xa6: {  	s25 =	simm.s32 $0x1B8E;
	[sflag:s24] =	ssyncadd.s32 $0xFFFFFFFF  }
0xa7: {  	s26 =	simm.s32 $execute0_lowered;
	[smem:$0x3FD2] =	sst s25  }
0xa8: {  	s6 =	sshll.u32 s26, $0x1;
	_ =	strace $0x80000046;
	[dreg:$0x1] =	wrdreg $0xFFFFFFFF  }
0xa9: {  	s28 =	simm.s32 $_size_execute0_lowered;
	s5 =	sadd.s32 s5, s6;
	[dreg:$0x0] =	wrdreg $0x0  }
0xaa: {  	s6 =	sshll.u32 s28, $0x1;
	[dreg:$0x2] =	wrdreg s5  }
0xab: {  	[dreg:$0x3] =	wrdreg s6  }
0xac: {  	[dreg:$0x4] =	wrdreg $0xC0  }
0xad: {  	_ =	task [dreg:s9], $0x5FFFF  }
0xae: {  	[dreg:$0x1] =	wrdreg $0xFFFFFFFF  }
0xaf: {  	[dreg:$0x0] =	wrdreg $0x60  }
0xb0: {  	[dreg:$0x2] =	wrdreg s19  }
0xb1: {  	[dreg:$0x3] =	wrdreg s2  }
0xb2: {  	[dreg:$0x4] =	wrdreg s4  }
0xb3: {  	[dreg:$0x5] =	wrdreg $0x9  }
0xb4: {  	_ =	task.clear_ibuf [dreg:s9], $0x6FFFF;
	_ =	strace $0x90000046  }
0xb5: {  	s29 =	simm.s32 $0x9;
	_ =	strace $0x80000048  }
0xb6: {  	_ =	swait.ge [sflag:s29], $0x1  }
0xb7: {  	[sflag:s29] =	ssyncadd.s32 $0xFFFFFFFF  }
0xb8: {  	_ =	strace $0x90000048  }
0xb9: {  	_ =	sfence  }
0xba: {  	s30 =	sld [smem:$0x0];
	_ =	sdelay $0x2  }
0xbb: {  	s31 =	sshll.u32 s1, $0xD;
	s1 =	sshrl.u32 s1, $0x2  }
0xbc: {  	s3 =	sand.u32 $0x4000, s31;
	s1 =	sadd.s32 s1, s30  }
0xbd: {  	s0 =	sor.u32 s3, s0;
	s1 =	sshll.u32 s1, $0x11  }
0xbe: {  	s0 =	sor.u32 s1, s0  }
0xbf: {  	s0 =	sadd.s32 $0x8F2B, s0  }
0xc0: {  	[sflag:s0] =	ssyncadd.remote.s32 $0x1  }
0xc1: {  	_ =	sfence.sel $0xFFFF  }
0xc2: {  	[dreg:$0x0] =	wrdreg $0xFFFFFFFF;
	(pc) =	sbr.abs _section_cstart, $3  }
0xc3: {  	[dreg:$0x1] =	wrdreg $0xFFFFFFFF  }
0xc4: {  	_ =	task.clear_ibuf [dreg:s9], $0x2FFFF;
	_ =	strace $0x9FFFFFFF  }
0xc5: {  	(tm) =	ssettm $0x7FFFFFFF  }
tec
execute0_lowered:
.L_overlay_start_1:
0x0: {  	(tag) =	ssettag $0x1  }
0x1: {  	s1 =	rddreg [dreg:$0x0];
	s2 =	srdreg.scid  }
0x2: {  	s4 =	rddreg [dreg:$0x1];
	s0 =	stileid.u32;
	s22 =	sand.u32 $0x1, s2  }
0x3: {  	s14 =	rddreg [dreg:$0x2];
	s5 =	sshll.u32 s0, $0xA;
	s6 =	sshll.u32 s22, $0x9  }
0x4: {  	s3 =	simm.s32 $0x0;
	s2 =	rddreg [dreg:$0x3];
	s15 =	sor.u32 s6, s5  }
0x5: {  	[smem:$0x7FF] =	sst s3;
	s5 =	sshrl.u32 s15, $0x3  }
0x6: {  	_ =	strace $0x80000047;
	s4 =	sadd.s32 s4, s5;
	s5 =	simm.s32 $0x6  }
0x7: {  	[tilespmem:s3], [sflag:$0x6] =	stream.linear.gather [hbm4b:s4+s3], $0x200, $0x38;
	[tilespmem:$0x10200] =	vst v63  }
0x8: {  	_ =	swait.ge [sflag:s5], $0x200  }
0x9: {  	[sflag:s5] =	ssyncset.done $0x0  }
0xa: {  	s7 =	simm.s32 $0x200;
	s6 =	simm.s32 $0x80;
	[sflag:s5] =	ssyncadd.s32 $0xFFFFFE00  }
0xb: {  	[tilespmem:s7], [sflag:$0x1] =	stream.indirect.gather [hbm4b:s1+s6], $0x80, s3, s6, $0xb8;
	[tilespmem:$0x10200] =	vst v63  }
0xc: {  	s8 =	simm.s32 $0x4200  }
0xd: {  	[tilespmem:s8], [sflag:$0x2] =	stream.indirect.gather [hbm4b:s1+s6], $0x80, s6, s6, $0xb8;
	[tilespmem:$0x10200] =	vst v63  }
0xe: {  	s9 =	simm.s32 $0x100;
	s10 =	simm.s32 $0x8200  }
0xf: {  	[tilespmem:s10], [sflag:$0x3] =	stream.indirect.gather [hbm4b:s1+s6], $0x80, s9, s6, $0xb8;
	[tilespmem:$0x10200] =	vst v63  }
0x10: {  	s11 =	simm.s32 $0x180;
	s12 =	simm.s32 $0xC200;
	s13 =	simm.s32 $0x1  }
0x11: {  	[tilespmem:s12], [sflag:$0x4] =	stream.indirect.gather [hbm4b:s1+s6], $0x80, s11, s6, $0xb8;
	[tilespmem:$0x10200] =	vst v63  }
0x12: {  	_ =	swait.ge [sflag:s13], $0x4000  }
0x13: {  	s15 =	sshll.u32 s15, $0x4;
	[sflag:s13] =	ssyncset.done $0x0  }
0x14: {  	s14 =	sadd.s32 s14, s15;
	s15 =	simm.s32 $0x2;
	[sflag:s13] =	ssyncadd.s32 $0xFFFFC000  }
0x15: {  	[hbm4b:s14+s3] =	stream.linear.scatter [tilespmem:s7], [sflag:$0x5], $0x4000, $0x38;
	[tilespmem:$0x10200] =	vst v63  }
0x16: {  	_ =	swait.ge [sflag:s15], $0x4000  }
0x17: {  	[sflag:s15] =	ssyncset.done $0x0  }
0x18: {  	s17 =	simm.s32 $0x3;
	s16 =	sadd.s32 $0x800, s14;
	[sflag:s15] =	ssyncadd.s32 $0xFFFFC000  }
0x19: {  	[hbm4b:s16+s3] =	stream.linear.scatter [tilespmem:s8], [sflag:$0x5], $0x4000, $0x38;
	[tilespmem:$0x10200] =	vst v63  }
0x1a: {  	_ =	swait.ge [sflag:s17], $0x4000  }
0x1b: {  	[sflag:s17] =	ssyncset.done $0x0  }
0x1c: {  	s19 =	simm.s32 $0x4;
	s18 =	sadd.s32 $0x1000, s14;
	[sflag:s17] =	ssyncadd.s32 $0xFFFFC000  }
0x1d: {  	[hbm4b:s18+s3] =	stream.linear.scatter [tilespmem:s10], [sflag:$0x5], $0x4000, $0x38;
	[tilespmem:$0x10200] =	vst v63  }
0x1e: {  	_ =	swait.ge [sflag:s19], $0x4000  }
0x1f: {  	[sflag:s19] =	ssyncset.done $0x0  }
0x20: {  	s20 =	simm.s32 $0x5;
	s21 =	sadd.s32 $0x1800, s14;
	[sflag:s19] =	ssyncadd.s32 $0xFFFFC000  }
0x21: {  	[hbm4b:s21+s3] =	stream.linear.scatter [tilespmem:s12], [sflag:$0x5], $0x4000, $0x38;
	[tilespmem:$0x10200] =	vst v63  }
0x22: {  	_ =	swait.ge [sflag:s20], $0x4000  }
0x23: {  	s22 =	ssub.s32 $0x2, s22;
	[sflag:s20] =	ssyncset.done $0x0  }
0x24: {  	s23 =	sshrl.u32 s22, $0x1;
	[sflag:s20] =	ssyncadd.s32 $0xFFFFC000  }
0x25: {  	s22 =	ssub.s32 s22, s23;
	_ =	swait.ge [sflag:s20], $0x4000  }
0x26: {  	s22 =	smax.u32 s22, $0x1;
	[sflag:s20] =	ssyncset.done $0x0  }
0x27: {  	p0 =	sne.s32 s22, $0x1;
	[sflag:s20] =	ssyncadd.s32 $0xFFFFC000  }
.Ltmp0:
0x28: {  	_ =	swait.ge [sflag:s20], $0x4000;
	(pc) =	sbr.rel @!p0 .LBB2_2-.Ltmp0, $4  }
0x29: {  	[sflag:s20] =	ssyncset.done $0x0  }
0x2a: {  	[sflag:s20] =	ssyncadd.s32 $0xFFFFC000  }
0x2b: {  	_ =	swait.ge [sflag:s20], $0x4000  }
0x2c: {  	s22 =	sadd.s32 $0xFFFFFFFF, s22;
	[sflag:s20] =	ssyncset.done $0x0  }
.LBB2_1:
0x2d: {  	p0 =	sne.s32 s22, $0x1;
	s22 =	sadd.s32 $0xFFFFFFFF, s22;
	[sflag:s20] =	ssyncadd.s32 $0xFFFFC000  }
0x2e: {  	[tilespmem:s3], [sflag:$0x6] =	stream.linear.gather [hbm4b:s4+s3], $0x200, $0x38;
	[tilespmem:$0x10200] =	vst v63  }
0x2f: {  	_ =	swait.ge [sflag:s5], $0x200  }
0x30: {  	[sflag:s5] =	ssyncset.done $0x0  }
0x31: {  	[sflag:s5] =	ssyncadd.s32 $0xFFFFFE00  }
0x32: {  	[tilespmem:s7], [sflag:$0x1] =	stream.indirect.gather [hbm4b:s1+s6], $0x80, s3, s6, $0xb8;
	[tilespmem:$0x10200] =	vst v63  }
0x33: {  	_ = 	snop  }
0x34: {  	[tilespmem:s8], [sflag:$0x2] =	stream.indirect.gather [hbm4b:s1+s6], $0x80, s6, s6, $0xb8;
	[tilespmem:$0x10200] =	vst v63  }
0x35: {  	_ = 	snop  }
0x36: {  	[tilespmem:s10], [sflag:$0x3] =	stream.indirect.gather [hbm4b:s1+s6], $0x80, s9, s6, $0xb8;
	[tilespmem:$0x10200] =	vst v63  }
0x37: {  	_ = 	snop  }
0x38: {  	[tilespmem:s12], [sflag:$0x4] =	stream.indirect.gather [hbm4b:s1+s6], $0x80, s11, s6, $0xb8;
	[tilespmem:$0x10200] =	vst v63  }
0x39: {  	_ =	swait.ge [sflag:s13], $0x4000  }
0x3a: {  	[sflag:s13] =	ssyncset.done $0x0  }
0x3b: {  	[sflag:s13] =	ssyncadd.s32 $0xFFFFC000  }
0x3c: {  	[hbm4b:s14+s3] =	stream.linear.scatter [tilespmem:s7], [sflag:$0x5], $0x4000, $0x38;
	[tilespmem:$0x10200] =	vst v63  }
0x3d: {  	_ =	swait.ge [sflag:s15], $0x4000  }
0x3e: {  	[sflag:s15] =	ssyncset.done $0x0  }
0x3f: {  	[sflag:s15] =	ssyncadd.s32 $0xFFFFC000  }
0x40: {  	[hbm4b:s16+s3] =	stream.linear.scatter [tilespmem:s8], [sflag:$0x5], $0x4000, $0x38;
	[tilespmem:$0x10200] =	vst v63  }
0x41: {  	_ =	swait.ge [sflag:s17], $0x4000  }
0x42: {  	[sflag:s17] =	ssyncset.done $0x0  }
0x43: {  	[sflag:s17] =	ssyncadd.s32 $0xFFFFC000  }
0x44: {  	[hbm4b:s18+s3] =	stream.linear.scatter [tilespmem:s10], [sflag:$0x5], $0x4000, $0x38;
	[tilespmem:$0x10200] =	vst v63  }
0x45: {  	_ =	swait.ge [sflag:s19], $0x4000  }
0x46: {  	[sflag:s19] =	ssyncset.done $0x0  }
0x47: {  	[sflag:s19] =	ssyncadd.s32 $0xFFFFC000  }
0x48: {  	[hbm4b:s21+s3] =	stream.linear.scatter [tilespmem:s12], [sflag:$0x5], $0x4000, $0x38;
	[tilespmem:$0x10200] =	vst v63  }
0x49: {  	_ =	swait.ge [sflag:s20], $0x4000  }
0x4a: {  	[sflag:s20] =	ssyncset.done $0x0  }
0x4b: {  	[sflag:s20] =	ssyncadd.s32 $0xFFFFC000  }
0x4c: {  	_ =	swait.ge [sflag:s20], $0x4000  }
0x4d: {  	[sflag:s20] =	ssyncset.done $0x0  }
0x4e: {  	[sflag:s20] =	ssyncadd.s32 $0xFFFFC000  }
.Ltmp1:
0x4f: {  	_ =	swait.ge [sflag:s20], $0x4000;
	(pc) =	sbr.rel @p0 .LBB2_1-.Ltmp1, $4  }
0x50: {  	[sflag:s20] =	ssyncset.done $0x0  }
0x51: {  	[sflag:s20] =	ssyncadd.s32 $0xFFFFC000  }
0x52: {  	_ =	swait.ge [sflag:s20], $0x4000  }
0x53: {  	[sflag:s20] =	ssyncset.done $0x0  }
.LBB2_2:
0x54: {  	[sflag:s20] =	ssyncadd.s32 $0xFFFFC000  }
0x55: {  	_ =	sfence.sel $0x180000  }
0x56: {  	[bflag:$0x0] =	sbarrier.arrive $0xFFFF  }
0x57: {  	p0 =	sne.s32 s0, $0x0;
	_ =	strace $0x90000047  }
0x58: {  	s0 =	sadd.s32 @!p0 $0x100000, s2;
	[bflag:$0x2] =	sbarrier.arrive $0xFFFF  }
0x59: {  	[sflag:s0] =	ssyncadd.tile.s32 @!p0 $0x1;
	_ =	shalt  }
.Lfunc_end2:
_tile_overlayer_lowered:
.L_overlay_start_2:
0x5a: {  	(tag) =	ssettag $0x2  }
0x5b: {  	s0 =	rddreg [dreg:$0x0];
	s2 =	stileid.u32  }
0x5c: {  	s1 =	rddreg [dreg:$0x1];
	p0 =	sne.s32 s2, $0x0  }
0x5d: {  	s3 =	rddreg [dreg:$0x2];
	[bflag:$0x3] =	sbarrier.arrive $0xFFFF;
	s2 =	simm.s32 @!p0 $0x1C06  }
0x5e: {  	[timem:s3], [sflag:s2] =	dma.local @!p0 [hbm:s0], s1  }
0x5f: {  	s0 =	simm.s32 @!p0 $0x6  }
0x60: {  	_ =	swait.ge @!p0 [sflag:s0], s1  }
0x61: {  	s1 =	ssub.s32 @!p0 $0x0, s1;
	[sflag:s0] =	ssyncset.done @!p0 $0x0  }
0x62: {  	[sflag:s0] =	ssyncadd.s32 @!p0 s1  }
0x63: {  	[bflag:$0x3] =	sbarrier.arrive $0xFFFF  }
0x64: {  	_ =	shalt  }

</sc_bundles>
